<compile_context>
chip_gen: v7x
topology: tpu7x:2x2x1
jax: 0.10.2.dev20260603
libtpu: 0.0.44.dev20260713+nightly
codegen_flags: <defaults>
</compile_context>

<pallas_src>
import functools

import jax
import jax.numpy as jnp
from jax import lax
from jax.experimental import pallas as pl
from jax.experimental.pallas import tpu as pltpu
from jax.experimental.pallas import tpu_sc as plsc

BATCH = 16384
EMBED_DIM = 32
VOCAB_ROWS = 100001
CHUNK = 4096
NCHUNK = BATCH // CHUNK
LANES = 16


def _gather_kernel(
    table_hbm,
    idx_hbm,
    out_hbm,
    row_v,
    idx_v,
    out_v,
    sem_row,
    sem_idx,
    sem_out,
):
    num_cores = plsc.get_sparse_core_info().num_cores
    w = lax.axis_index("s") * num_cores + lax.axis_index("c")

    row_copy = pltpu.async_copy(table_hbm.at[w], row_v, sem_row)
    idx_copies = [
        pltpu.async_copy(
            idx_hbm.at[pl.ds(c * CHUNK, CHUNK)],
            idx_v.at[pl.ds(c * CHUNK, CHUNK)],
            sem_idx.at[c],
        )
        for c in range(NCHUNK)
    ]
    row_copy.wait()

    out_copies = [None, None]
    for c in range(NCHUNK):
        idx_copies[c].wait()
        if out_copies[c % 2] is not None:
            out_copies[c % 2].wait()

        idx_ref = idx_v.at[pl.ds(c * CHUNK, CHUNK)]
        out_ref = out_v.at[pl.ds((c % 2) * CHUNK, CHUNK)]

        @plsc.parallel_loop(0, CHUNK, LANES, unroll=8)
        def _(i):
            idx = idx_ref[pl.ds(i, LANES)]
            out_ref[pl.ds(i, LANES)] = plsc.load_gather(row_v, [idx])

        out_copies[c % 2] = pltpu.async_copy(
            out_ref, out_hbm.at[w, pl.ds(c * CHUNK, CHUNK)], sem_out.at[c % 2]
        )
    for c in range(2):
        out_copies[c].wait()


def kernel(inputs, table):
    mesh = plsc.VectorSubcoreMesh(core_axis_name="c", subcore_axis_name="s")
    run = functools.partial(
        pl.kernel,
        mesh=mesh,
        out_type=jax.ShapeDtypeStruct((EMBED_DIM, BATCH), jnp.float32),
        scratch_types=[
            pltpu.VMEM((VOCAB_ROWS,), jnp.float32),
            pltpu.VMEM((BATCH,), jnp.int32),
            pltpu.VMEM((2 * CHUNK,), jnp.float32),
            pltpu.SemaphoreType.DMA,
            pltpu.SemaphoreType.DMA((NCHUNK,)),
            pltpu.SemaphoreType.DMA((2,)),
        ],
        compiler_params=pltpu.CompilerParams(needs_layout_passes=False),
    )(_gather_kernel)
    out_t = run(table.T, inputs.astype(jnp.int32))
    return out_t.T

# --- scband reference (transcript-rebuilt; emitter-appended) ---
"""Pipeline reference for scband-mentor-model-59347858096322 (READ-ONLY COPY).

The authoritative reference and input builder live on the scoring server;
editing this copy changes nothing except your own understanding.
"""

import jax, jax.numpy as jnp
import numpy as np

VOCAB = 100000  # len(unique_mentor_ids)
EMBED_DIM = 32
NUM_ROWS = VOCAB + 1  # StringLookup OOV bucket adds +1 row
BATCH = 16384

def setup_inputs(seed: int = 0) -> dict:
    key = jax.random.key(seed)
    k_idx, k_tab = jax.random.split(key)
    # In the original Keras model, string ids pass through StringLookup to produce
    # integer indices in [0, VOCAB]; we model the post-lookup integer indices directly.
    inputs = jax.random.randint(k_idx, (BATCH,), 0, NUM_ROWS, dtype=jnp.int64)
    # Embedding table: Keras Embedding default init is uniform(-0.05, 0.05)
    table = jax.random.uniform(k_tab, (NUM_ROWS, EMBED_DIM), dtype=jnp.float32, minval=-0.05, maxval=0.05)
    return {"inputs": inputs, "table": table}

def reference(inputs, table):
    # StringLookup -> integer indices (modeled as given), then Embedding gather
    return jnp.take(table, inputs, axis=0)

if __name__ == "__main__":
    import jax
    _d = setup_inputs()
    print(jax.jit(kernel)(*tuple(_d.values())))

</pallas_src>

<mosaic_0001>
#map = affine_map<(d0, d1) -> (0, 0)>
#map1 = affine_map<(d0, d1) -> (0)>
module attributes {stable_mosaic.version = 14 : i64} {
  func.func @_gather_kernel(%arg0: i32, %arg1: i32, %arg2: memref<32x100001xf32, #tpu.memory_space<hbm>>, %arg3: memref<16384xi32, #tpu.memory_space<hbm>>, %arg4: memref<32x16384xf32, #tpu.memory_space<hbm>>, %arg5: memref<100001xf32, #tpu.memory_space<vmem>>, %arg6: memref<16384xi32, #tpu.memory_space<vmem>>, %arg7: memref<8192xf32, #tpu.memory_space<vmem>>, %arg8: memref<!tpu.dma_semaphore, #tpu.memory_space<semaphore_mem>>, %arg9: memref<4x!tpu.dma_semaphore, #tpu.memory_space<semaphore_mem>>, %arg10: memref<2x!tpu.dma_semaphore, #tpu.memory_space<semaphore_mem>>) attributes {dimension_semantics = [#tpu.dimension_semantics<core_parallel>, #tpu.dimension_semantics<subcore_parallel>], iteration_bounds = array<i64: 2, 16>, scalar_prefetch = 0 : i64, scratch_operands = 6 : i64, tpu.core_type = #tpu.core_type<sc_vector_subcore>, window_params = [{transform_indices = #map}, {transform_indices = #map1}, {transform_indices = #map}]} {
    %mul3A = arith.constant 2 : i32
    %mul3A_0 = arith.muli %arg1, %mul3A : i32
    %add3A = arith.addi %mul3A_0, %arg0 : i32
    %dma_start3A = arith.constant 0 : i32
    %dma_start3A_1 = tpu.memref_slice %arg2[%add3A, %dma_start3A] : memref<32x100001xf32, #tpu.memory_space<hbm>> -> memref<1x100001xf32, #tpu.memory_space<hbm>>
    %dma_start3A_2 = tpu.memref_squeeze %dma_start3A_1 : memref<1x100001xf32, #tpu.memory_space<hbm>> -> memref<100001xf32, #tpu.memory_space<hbm>>
    %dma_start3A_3 = arith.constant 0 : i32
    %dma_start3A_4 = tpu.memref_slice %arg2[%add3A, %dma_start3A_3] : memref<32x100001xf32, #tpu.memory_space<hbm>> -> memref<1x100001xf32, #tpu.memory_space<hbm>>
    %dma_start3A_5 = tpu.memref_squeeze %dma_start3A_4 : memref<1x100001xf32, #tpu.memory_space<hbm>> -> memref<100001xf32, #tpu.memory_space<hbm>>
    tpu.enqueue_dma source(%dma_start3A_5 : memref<100001xf32, #tpu.memory_space<hbm>>) target(%arg5 : memref<100001xf32, #tpu.memory_space<vmem>>) target_semaphore(%arg8 : memref<!tpu.dma_semaphore, #tpu.memory_space<semaphore_mem>>)
    %dma_start3A_6 = arith.constant 0 : i32
    %dma_start3A_7 = arith.constant 0 : i32
    %dma_start3A_8 = tpu.memref_slice %arg6[%dma_start3A_7] : memref<16384xi32, #tpu.memory_space<vmem>> -> memref<4096xi32, #tpu.memory_space<vmem>>
    %dma_start3A_9 = arith.constant 0 : i32
    %dma_start3A_10 = tpu.memref_slice %arg3[%dma_start3A_9] : memref<16384xi32, #tpu.memory_space<hbm>> -> memref<4096xi32, #tpu.memory_space<hbm>>
    %dma_start3A_11 = tpu.memref_slice %arg9[%dma_start3A_6] : memref<4x!tpu.dma_semaphore, #tpu.memory_space<semaphore_mem>> -> memref<1x!tpu.dma_semaphore, #tpu.memory_space<semaphore_mem>>
    %dma_start3A_12 = tpu.memref_squeeze %dma_start3A_11 : memref<1x!tpu.dma_semaphore, #tpu.memory_space<semaphore_mem>> -> memref<!tpu.dma_semaphore, #tpu.memory_space<semaphore_mem>>
    %dma_start3A_13 = arith.constant 0 : i32
    %dma_start3A_14 = tpu.memref_slice %arg6[%dma_start3A_13] : memref<16384xi32, #tpu.memory_space<vmem>> -> memref<4096xi32, #tpu.memory_space<vmem>>
    %dma_start3A_15 = arith.constant 0 : i32
    %dma_start3A_16 = tpu.memref_slice %arg3[%dma_start3A_15] : memref<16384xi32, #tpu.memory_space<hbm>> -> memref<4096xi32, #tpu.memory_space<hbm>>
    tpu.enqueue_dma source(%dma_start3A_16 : memref<4096xi32, #tpu.memory_space<hbm>>) target(%dma_start3A_14 : memref<4096xi32, #tpu.memory_space<vmem>>) target_semaphore(%dma_start3A_12 : memref<!tpu.dma_semaphore, #tpu.memory_space<semaphore_mem>>)
    %dma_start3A_17 = arith.constant 1 : i32
    %dma_start3A_18 = arith.constant 4096 : i32
    %dma_start3A_19 = tpu.memref_slice %arg6[%dma_start3A_18] : memref<16384xi32, #tpu.memory_space<vmem>> -> memref<4096xi32, #tpu.memory_space<vmem>>
    %dma_start3A_20 = arith.constant 4096 : i32
    %dma_start3A_21 = tpu.memref_slice %arg3[%dma_start3A_20] : memref<16384xi32, #tpu.memory_space<hbm>> -> memref<4096xi32, #tpu.memory_space<hbm>>
    %dma_start3A_22 = tpu.memref_slice %arg9[%dma_start3A_17] : memref<4x!tpu.dma_semaphore, #tpu.memory_space<semaphore_mem>> -> memref<1x!tpu.dma_semaphore, #tpu.memory_space<semaphore_mem>>
    %dma_start3A_23 = tpu.memref_squeeze %dma_start3A_22 : memref<1x!tpu.dma_semaphore, #tpu.memory_space<semaphore_mem>> -> memref<!tpu.dma_semaphore, #tpu.memory_space<semaphore_mem>>
    %dma_start3A_24 = arith.constant 4096 : i32
    %dma_start3A_25 = tpu.memref_slice %arg6[%dma_start3A_24] : memref<16384xi32, #tpu.memory_space<vmem>> -> memref<4096xi32, #tpu.memory_space<vmem>>
    %dma_start3A_26 = arith.constant 4096 : i32
    %dma_start3A_27 = tpu.memref_slice %arg3[%dma_start3A_26] : memref<16384xi32, #tpu.memory_space<hbm>> -> memref<4096xi32, #tpu.memory_space<hbm>>
    tpu.enqueue_dma source(%dma_start3A_27 : memref<4096xi32, #tpu.memory_space<hbm>>) target(%dma_start3A_25 : memref<4096xi32, #tpu.memory_space<vmem>>) target_semaphore(%dma_start3A_23 : memref<!tpu.dma_semaphore, #tpu.memory_space<semaphore_mem>>)
    %dma_start3A_28 = arith.constant 2 : i32
    %dma_start3A_29 = arith.constant 8192 : i32
    %dma_start3A_30 = tpu.memref_slice %arg6[%dma_start3A_29] : memref<16384xi32, #tpu.memory_space<vmem>> -> memref<4096xi32, #tpu.memory_space<vmem>>
    %dma_start3A_31 = arith.constant 8192 : i32
    %dma_start3A_32 = tpu.memref_slice %arg3[%dma_start3A_31] : memref<16384xi32, #tpu.memory_space<hbm>> -> memref<4096xi32, #tpu.memory_space<hbm>>
    %dma_start3A_33 = tpu.memref_slice %arg9[%dma_start3A_28] : memref<4x!tpu.dma_semaphore, #tpu.memory_space<semaphore_mem>> -> memref<1x!tpu.dma_semaphore, #tpu.memory_space<semaphore_mem>>
    %dma_start3A_34 = tpu.memref_squeeze %dma_start3A_33 : memref<1x!tpu.dma_semaphore, #tpu.memory_space<semaphore_mem>> -> memref<!tpu.dma_semaphore, #tpu.memory_space<semaphore_mem>>
    %dma_start3A_35 = arith.constant 8192 : i32
    %dma_start3A_36 = tpu.memref_slice %arg6[%dma_start3A_35] : memref<16384xi32, #tpu.memory_space<vmem>> -> memref<4096xi32, #tpu.memory_space<vmem>>
    %dma_start3A_37 = arith.constant 8192 : i32
    %dma_start3A_38 = tpu.memref_slice %arg3[%dma_start3A_37] : memref<16384xi32, #tpu.memory_space<hbm>> -> memref<4096xi32, #tpu.memory_space<hbm>>
    tpu.enqueue_dma source(%dma_start3A_38 : memref<4096xi32, #tpu.memory_space<hbm>>) target(%dma_start3A_36 : memref<4096xi32, #tpu.memory_space<vmem>>) target_semaphore(%dma_start3A_34 : memref<!tpu.dma_semaphore, #tpu.memory_space<semaphore_mem>>)
    %dma_start3A_39 = arith.constant 3 : i32
    %dma_start3A_40 = arith.constant 12288 : i32
    %dma_start3A_41 = tpu.memref_slice %arg6[%dma_start3A_40] : memref<16384xi32, #tpu.memory_space<vmem>> -> memref<4096xi32, #tpu.memory_space<vmem>>
    %dma_start3A_42 = arith.constant 12288 : i32
    %dma_start3A_43 = tpu.memref_slice %arg3[%dma_start3A_42] : memref<16384xi32, #tpu.memory_space<hbm>> -> memref<4096xi32, #tpu.memory_space<hbm>>
    %dma_start3A_44 = tpu.memref_slice %arg9[%dma_start3A_39] : memref<4x!tpu.dma_semaphore, #tpu.memory_space<semaphore_mem>> -> memref<1x!tpu.dma_semaphore, #tpu.memory_space<semaphore_mem>>
    %dma_start3A_45 = tpu.memref_squeeze %dma_start3A_44 : memref<1x!tpu.dma_semaphore, #tpu.memory_space<semaphore_mem>> -> memref<!tpu.dma_semaphore, #tpu.memory_space<semaphore_mem>>
    %dma_start3A_46 = arith.constant 12288 : i32
    %dma_start3A_47 = tpu.memref_slice %arg6[%dma_start3A_46] : memref<16384xi32, #tpu.memory_space<vmem>> -> memref<4096xi32, #tpu.memory_space<vmem>>
    %dma_start3A_48 = arith.constant 12288 : i32
    %dma_start3A_49 = tpu.memref_slice %arg3[%dma_start3A_48] : memref<16384xi32, #tpu.memory_space<hbm>> -> memref<4096xi32, #tpu.memory_space<hbm>>
    tpu.enqueue_dma source(%dma_start3A_49 : memref<4096xi32, #tpu.memory_space<hbm>>) target(%dma_start3A_47 : memref<4096xi32, #tpu.memory_space<vmem>>) target_semaphore(%dma_start3A_45 : memref<!tpu.dma_semaphore, #tpu.memory_space<semaphore_mem>>)
    %dma_wait3A = arith.constant 0 : i32
    %dma_wait3A_50 = tpu.memref_slice %arg2[%add3A, %dma_wait3A] : memref<32x100001xf32, #tpu.memory_space<hbm>> -> memref<1x100001xf32, #tpu.memory_space<hbm>>
    %dma_wait3A_51 = tpu.memref_squeeze %dma_wait3A_50 : memref<1x100001xf32, #tpu.memory_space<hbm>> -> memref<100001xf32, #tpu.memory_space<hbm>>
    %dma_wait3A_52 = arith.constant 0 : i32
    %dma_wait3A_53 = tpu.memref_slice %arg2[%add3A, %dma_wait3A_52] : memref<32x100001xf32, #tpu.memory_space<hbm>> -> memref<1x100001xf32, #tpu.memory_space<hbm>>
    %dma_wait3A_54 = tpu.memref_squeeze %dma_wait3A_53 : memref<1x100001xf32, #tpu.memory_space<hbm>> -> memref<100001xf32, #tpu.memory_space<hbm>>
    tpu.wait_dma2 semaphore(%arg8 : memref<!tpu.dma_semaphore, #tpu.memory_space<semaphore_mem>>) src(%dma_wait3A_54 : memref<100001xf32, #tpu.memory_space<hbm>>) dst(%arg5 : memref<100001xf32, #tpu.memory_space<vmem>>)
    %dma_wait3A_55 = arith.constant 0 : i32
    %dma_wait3A_56 = arith.constant 0 : i32
    %dma_wait3A_57 = tpu.memref_slice %arg6[%dma_wait3A_56] : memref<16384xi32, #tpu.memory_space<vmem>> -> memref<4096xi32, #tpu.memory_space<vmem>>
    %dma_wait3A_58 = arith.constant 0 : i32
    %dma_wait3A_59 = tpu.memref_slice %arg3[%dma_wait3A_58] : memref<16384xi32, #tpu.memory_space<hbm>> -> memref<4096xi32, #tpu.memory_space<hbm>>
    %dma_wait3A_60 = tpu.memref_slice %arg9[%dma_wait3A_55] : memref<4x!tpu.dma_semaphore, #tpu.memory_space<semaphore_mem>> -> memref<1x!tpu.dma_semaphore, #tpu.memory_space<semaphore_mem>>
    %dma_wait3A_61 = tpu.memref_squeeze %dma_wait3A_60 : memref<1x!tpu.dma_semaphore, #tpu.memory_space<semaphore_mem>> -> memref<!tpu.dma_semaphore, #tpu.memory_space<semaphore_mem>>
    %dma_wait3A_62 = arith.constant 0 : i32
    %dma_wait3A_63 = tpu.memref_slice %arg6[%dma_wait3A_62] : memref<16384xi32, #tpu.memory_space<vmem>> -> memref<4096xi32, #tpu.memory_space<vmem>>
    %dma_wait3A_64 = arith.constant 0 : i32
    %dma_wait3A_65 = tpu.memref_slice %arg3[%dma_wait3A_64] : memref<16384xi32, #tpu.memory_space<hbm>> -> memref<4096xi32, #tpu.memory_space<hbm>>
    tpu.wait_dma2 semaphore(%dma_wait3A_61 : memref<!tpu.dma_semaphore, #tpu.memory_space<semaphore_mem>>) src(%dma_wait3A_65 : memref<4096xi32, #tpu.memory_space<hbm>>) dst(%dma_wait3A_63 : memref<4096xi32, #tpu.memory_space<vmem>>)
    %parallel_loop3A = arith.constant 0 : i32
    %parallel_loop3A_66 = arith.constant 4096 : i32
    %parallel_loop3A_67 = arith.constant 16 : i32
    scf.for %parallel_loop3A_214 = %parallel_loop3A to %parallel_loop3A_66 step %parallel_loop3A_67  : i32 {
      %parallel_loop3A_215 = arith.constant 0 : i32
      %parallel_loop3A_216 = tpu.memref_slice %arg6[%parallel_loop3A_215] : memref<16384xi32, #tpu.memory_space<vmem>> -> memref<4096xi32, #tpu.memory_space<vmem>>
      %parallel_loop3A_217 = arith.index_cast %parallel_loop3A_214 : i32 to index
      %parallel_loop3A_218 = tpu.vector_load %parallel_loop3A_216[%parallel_loop3A_217] {strides = array<i32>} : memref<4096xi32, #tpu.memory_space<vmem>>, vector<16xi32>,
      %parallel_loop3A_219 = tpu.vector_load_idx %arg5[%parallel_loop3A_218] : memref<100001xf32, #tpu.memory_space<vmem>>[vector<16xi32>], vector<16xf32>,
      %parallel_loop3A_220 = arith.constant 0 : i32
      %parallel_loop3A_221 = tpu.memref_slice %arg7[%parallel_loop3A_220] : memref<8192xf32, #tpu.memory_space<vmem>> -> memref<4096xf32, #tpu.memory_space<vmem>>
      %parallel_loop3A_222 = arith.index_cast %parallel_loop3A_214 : i32 to index
      %parallel_loop3A_223 = tpu.vector_load %parallel_loop3A_221[%parallel_loop3A_222] {strides = array<i32>} : memref<4096xf32, #tpu.memory_space<vmem>>, vector<16xf32>,
      tpu.vector_store %parallel_loop3A_221[%parallel_loop3A_222], %parallel_loop3A_219 {strides = array<i32>} : memref<4096xf32, #tpu.memory_space<vmem>>, vector<16xf32>,
    } {sc.loop_unroll_factor = 8 : i64, sc.parallel_access}
    %dma_start3A_68 = arith.constant 0 : i32
    %dma_start3A_69 = arith.constant 0 : i32
    %dma_start3A_70 = tpu.memref_slice %arg7[%dma_start3A_69] : memref<8192xf32, #tpu.memory_space<vmem>> -> memref<4096xf32, #tpu.memory_space<vmem>>
    %dma_start3A_71 = arith.constant 0 : i32
    %dma_start3A_72 = tpu.memref_slice %arg4[%add3A, %dma_start3A_71] : memref<32x16384xf32, #tpu.memory_space<hbm>> -> memref<1x4096xf32, #tpu.memory_space<hbm>>
    %dma_start3A_73 = tpu.memref_squeeze %dma_start3A_72 : memref<1x4096xf32, #tpu.memory_space<hbm>> -> memref<4096xf32, #tpu.memory_space<hbm>>
    %dma_start3A_74 = tpu.memref_slice %arg10[%dma_start3A_68] : memref<2x!tpu.dma_semaphore, #tpu.memory_space<semaphore_mem>> -> memref<1x!tpu.dma_semaphore, #tpu.memory_space<semaphore_mem>>
    %dma_start3A_75 = tpu.memref_squeeze %dma_start3A_74 : memref<1x!tpu.dma_semaphore, #tpu.memory_space<semaphore_mem>> -> memref<!tpu.dma_semaphore, #tpu.memory_space<semaphore_mem>>
    %dma_start3A_76 = arith.constant 0 : i32
    %dma_start3A_77 = tpu.memref_slice %arg4[%add3A, %dma_start3A_76] : memref<32x16384xf32, #tpu.memory_space<hbm>> -> memref<1x4096xf32, #tpu.memory_space<hbm>>
    %dma_start3A_78 = tpu.memref_squeeze %dma_start3A_77 : memref<1x4096xf32, #tpu.memory_space<hbm>> -> memref<4096xf32, #tpu.memory_space<hbm>>
    %dma_start3A_79 = arith.constant 0 : i32
    %dma_start3A_80 = tpu.memref_slice %arg7[%dma_start3A_79] : memref<8192xf32, #tpu.memory_space<vmem>> -> memref<4096xf32, #tpu.memory_space<vmem>>
    tpu.enqueue_dma source(%dma_start3A_80 : memref<4096xf32, #tpu.memory_space<vmem>>) target(%dma_start3A_78 : memref<4096xf32, #tpu.memory_space<hbm>>) target_semaphore(%dma_start3A_75 : memref<!tpu.dma_semaphore, #tpu.memory_space<semaphore_mem>>)
    %dma_wait3A_81 = arith.constant 1 : i32
    %dma_wait3A_82 = arith.constant 4096 : i32
    %dma_wait3A_83 = tpu.memref_slice %arg6[%dma_wait3A_82] : memref<16384xi32, #tpu.memory_space<vmem>> -> memref<4096xi32, #tpu.memory_space<vmem>>
    %dma_wait3A_84 = arith.constant 4096 : i32
    %dma_wait3A_85 = tpu.memref_slice %arg3[%dma_wait3A_84] : memref<16384xi32, #tpu.memory_space<hbm>> -> memref<4096xi32, #tpu.memory_space<hbm>>
    %dma_wait3A_86 = tpu.memref_slice %arg9[%dma_wait3A_81] : memref<4x!tpu.dma_semaphore, #tpu.memory_space<semaphore_mem>> -> memref<1x!tpu.dma_semaphore, #tpu.memory_space<semaphore_mem>>
    %dma_wait3A_87 = tpu.memref_squeeze %dma_wait3A_86 : memref<1x!tpu.dma_semaphore, #tpu.memory_space<semaphore_mem>> -> memref<!tpu.dma_semaphore, #tpu.memory_space<semaphore_mem>>
    %dma_wait3A_88 = arith.constant 4096 : i32
    %dma_wait3A_89 = tpu.memref_slice %arg6[%dma_wait3A_88] : memref<16384xi32, #tpu.memory_space<vmem>> -> memref<4096xi32, #tpu.memory_space<vmem>>
    %dma_wait3A_90 = arith.constant 4096 : i32
    %dma_wait3A_91 = tpu.memref_slice %arg3[%dma_wait3A_90] : memref<16384xi32, #tpu.memory_space<hbm>> -> memref<4096xi32, #tpu.memory_space<hbm>>
    tpu.wait_dma2 semaphore(%dma_wait3A_87 : memref<!tpu.dma_semaphore, #tpu.memory_space<semaphore_mem>>) src(%dma_wait3A_91 : memref<4096xi32, #tpu.memory_space<hbm>>) dst(%dma_wait3A_89 : memref<4096xi32, #tpu.memory_space<vmem>>)
    %parallel_loop3A_92 = arith.constant 0 : i32
    %parallel_loop3A_93 = arith.constant 4096 : i32
    %parallel_loop3A_94 = arith.constant 16 : i32
    scf.for %parallel_loop3A_214 = %parallel_loop3A_92 to %parallel_loop3A_93 step %parallel_loop3A_94  : i32 {
      %parallel_loop3A_215 = arith.constant 4096 : i32
      %parallel_loop3A_216 = tpu.memref_slice %arg6[%parallel_loop3A_215] : memref<16384xi32, #tpu.memory_space<vmem>> -> memref<4096xi32, #tpu.memory_space<vmem>>
      %parallel_loop3A_217 = arith.index_cast %parallel_loop3A_214 : i32 to index
      %parallel_loop3A_218 = tpu.vector_load %parallel_loop3A_216[%parallel_loop3A_217] {strides = array<i32>} : memref<4096xi32, #tpu.memory_space<vmem>>, vector<16xi32>,
      %parallel_loop3A_219 = tpu.vector_load_idx %arg5[%parallel_loop3A_218] : memref<100001xf32, #tpu.memory_space<vmem>>[vector<16xi32>], vector<16xf32>,
      %parallel_loop3A_220 = arith.constant 4096 : i32
      %parallel_loop3A_221 = tpu.memref_slice %arg7[%parallel_loop3A_220] : memref<8192xf32, #tpu.memory_space<vmem>> -> memref<4096xf32, #tpu.memory_space<vmem>>
      %parallel_loop3A_222 = arith.index_cast %parallel_loop3A_214 : i32 to index
      %parallel_loop3A_223 = tpu.vector_load %parallel_loop3A_221[%parallel_loop3A_222] {strides = array<i32>} : memref<4096xf32, #tpu.memory_space<vmem>>, vector<16xf32>,
      tpu.vector_store %parallel_loop3A_221[%parallel_loop3A_222], %parallel_loop3A_219 {strides = array<i32>} : memref<4096xf32, #tpu.memory_space<vmem>>, vector<16xf32>,
    } {sc.loop_unroll_factor = 8 : i64, sc.parallel_access}
    %dma_start3A_95 = arith.constant 1 : i32
    %dma_start3A_96 = arith.constant 4096 : i32
    %dma_start3A_97 = tpu.memref_slice %arg7[%dma_start3A_96] : memref<8192xf32, #tpu.memory_space<vmem>> -> memref<4096xf32, #tpu.memory_space<vmem>>
    %dma_start3A_98 = arith.constant 4096 : i32
    %dma_start3A_99 = tpu.memref_slice %arg4[%add3A, %dma_start3A_98] : memref<32x16384xf32, #tpu.memory_space<hbm>> -> memref<1x4096xf32, #tpu.memory_space<hbm>>
    %dma_start3A_100 = tpu.memref_squeeze %dma_start3A_99 : memref<1x4096xf32, #tpu.memory_space<hbm>> -> memref<4096xf32, #tpu.memory_space<hbm>>
    %dma_start3A_101 = tpu.memref_slice %arg10[%dma_start3A_95] : memref<2x!tpu.dma_semaphore, #tpu.memory_space<semaphore_mem>> -> memref<1x!tpu.dma_semaphore, #tpu.memory_space<semaphore_mem>>
    %dma_start3A_102 = tpu.memref_squeeze %dma_start3A_101 : memref<1x!tpu.dma_semaphore, #tpu.memory_space<semaphore_mem>> -> memref<!tpu.dma_semaphore, #tpu.memory_space<semaphore_mem>>
    %dma_start3A_103 = arith.constant 4096 : i32
    %dma_start3A_104 = tpu.memref_slice %arg4[%add3A, %dma_start3A_103] : memref<32x16384xf32, #tpu.memory_space<hbm>> -> memref<1x4096xf32, #tpu.memory_space<hbm>>
    %dma_start3A_105 = tpu.memref_squeeze %dma_start3A_104 : memref<1x4096xf32, #tpu.memory_space<hbm>> -> memref<4096xf32, #tpu.memory_space<hbm>>
    %dma_start3A_106 = arith.constant 4096 : i32
    %dma_start3A_107 = tpu.memref_slice %arg7[%dma_start3A_106] : memref<8192xf32, #tpu.memory_space<vmem>> -> memref<4096xf32, #tpu.memory_space<vmem>>
    tpu.enqueue_dma source(%dma_start3A_107 : memref<4096xf32, #tpu.memory_space<vmem>>) target(%dma_start3A_105 : memref<4096xf32, #tpu.memory_space<hbm>>) target_semaphore(%dma_start3A_102 : memref<!tpu.dma_semaphore, #tpu.memory_space<semaphore_mem>>)
    %dma_wait3A_108 = arith.constant 2 : i32
    %dma_wait3A_109 = arith.constant 8192 : i32
    %dma_wait3A_110 = tpu.memref_slice %arg6[%dma_wait3A_109] : memref<16384xi32, #tpu.memory_space<vmem>> -> memref<4096xi32, #tpu.memory_space<vmem>>
    %dma_wait3A_111 = arith.constant 8192 : i32
    %dma_wait3A_112 = tpu.memref_slice %arg3[%dma_wait3A_111] : memref<16384xi32, #tpu.memory_space<hbm>> -> memref<4096xi32, #tpu.memory_space<hbm>>
    %dma_wait3A_113 = tpu.memref_slice %arg9[%dma_wait3A_108] : memref<4x!tpu.dma_semaphore, #tpu.memory_space<semaphore_mem>> -> memref<1x!tpu.dma_semaphore, #tpu.memory_space<semaphore_mem>>
    %dma_wait3A_114 = tpu.memref_squeeze %dma_wait3A_113 : memref<1x!tpu.dma_semaphore, #tpu.memory_space<semaphore_mem>> -> memref<!tpu.dma_semaphore, #tpu.memory_space<semaphore_mem>>
    %dma_wait3A_115 = arith.constant 8192 : i32
    %dma_wait3A_116 = tpu.memref_slice %arg6[%dma_wait3A_115] : memref<16384xi32, #tpu.memory_space<vmem>> -> memref<4096xi32, #tpu.memory_space<vmem>>
    %dma_wait3A_117 = arith.constant 8192 : i32
    %dma_wait3A_118 = tpu.memref_slice %arg3[%dma_wait3A_117] : memref<16384xi32, #tpu.memory_space<hbm>> -> memref<4096xi32, #tpu.memory_space<hbm>>
    tpu.wait_dma2 semaphore(%dma_wait3A_114 : memref<!tpu.dma_semaphore, #tpu.memory_space<semaphore_mem>>) src(%dma_wait3A_118 : memref<4096xi32, #tpu.memory_space<hbm>>) dst(%dma_wait3A_116 : memref<4096xi32, #tpu.memory_space<vmem>>)
    %dma_wait3A_119 = arith.constant 0 : i32
    %dma_wait3A_120 = arith.constant 0 : i32
    %dma_wait3A_121 = tpu.memref_slice %arg7[%dma_wait3A_120] : memref<8192xf32, #tpu.memory_space<vmem>> -> memref<4096xf32, #tpu.memory_space<vmem>>
    %dma_wait3A_122 = arith.constant 0 : i32
    %dma_wait3A_123 = tpu.memref_slice %arg4[%add3A, %dma_wait3A_122] : memref<32x16384xf32, #tpu.memory_space<hbm>> -> memref<1x4096xf32, #tpu.memory_space<hbm>>
    %dma_wait3A_124 = tpu.memref_squeeze %dma_wait3A_123 : memref<1x4096xf32, #tpu.memory_space<hbm>> -> memref<4096xf32, #tpu.memory_space<hbm>>
    %dma_wait3A_125 = tpu.memref_slice %arg10[%dma_wait3A_119] : memref<2x!tpu.dma_semaphore, #tpu.memory_space<semaphore_mem>> -> memref<1x!tpu.dma_semaphore, #tpu.memory_space<semaphore_mem>>
    %dma_wait3A_126 = tpu.memref_squeeze %dma_wait3A_125 : memref<1x!tpu.dma_semaphore, #tpu.memory_space<semaphore_mem>> -> memref<!tpu.dma_semaphore, #tpu.memory_space<semaphore_mem>>
    %dma_wait3A_127 = arith.constant 0 : i32
    %dma_wait3A_128 = tpu.memref_slice %arg4[%add3A, %dma_wait3A_127] : memref<32x16384xf32, #tpu.memory_space<hbm>> -> memref<1x4096xf32, #tpu.memory_space<hbm>>
    %dma_wait3A_129 = tpu.memref_squeeze %dma_wait3A_128 : memref<1x4096xf32, #tpu.memory_space<hbm>> -> memref<4096xf32, #tpu.memory_space<hbm>>
    %dma_wait3A_130 = arith.constant 0 : i32
    %dma_wait3A_131 = tpu.memref_slice %arg7[%dma_wait3A_130] : memref<8192xf32, #tpu.memory_space<vmem>> -> memref<4096xf32, #tpu.memory_space<vmem>>
    tpu.wait_dma2 semaphore(%dma_wait3A_126 : memref<!tpu.dma_semaphore, #tpu.memory_space<semaphore_mem>>) src(%dma_wait3A_131 : memref<4096xf32, #tpu.memory_space<vmem>>) dst(%dma_wait3A_129 : memref<4096xf32, #tpu.memory_space<hbm>>)
    %parallel_loop3A_132 = arith.constant 0 : i32
    %parallel_loop3A_133 = arith.constant 4096 : i32
    %parallel_loop3A_134 = arith.constant 16 : i32
    scf.for %parallel_loop3A_214 = %parallel_loop3A_132 to %parallel_loop3A_133 step %parallel_loop3A_134  : i32 {
      %parallel_loop3A_215 = arith.constant 8192 : i32
      %parallel_loop3A_216 = tpu.memref_slice %arg6[%parallel_loop3A_215] : memref<16384xi32, #tpu.memory_space<vmem>> -> memref<4096xi32, #tpu.memory_space<vmem>>
      %parallel_loop3A_217 = arith.index_cast %parallel_loop3A_214 : i32 to index
      %parallel_loop3A_218 = tpu.vector_load %parallel_loop3A_216[%parallel_loop3A_217] {strides = array<i32>} : memref<4096xi32, #tpu.memory_space<vmem>>, vector<16xi32>,
      %parallel_loop3A_219 = tpu.vector_load_idx %arg5[%parallel_loop3A_218] : memref<100001xf32, #tpu.memory_space<vmem>>[vector<16xi32>], vector<16xf32>,
      %parallel_loop3A_220 = arith.constant 0 : i32
      %parallel_loop3A_221 = tpu.memref_slice %arg7[%parallel_loop3A_220] : memref<8192xf32, #tpu.memory_space<vmem>> -> memref<4096xf32, #tpu.memory_space<vmem>>
      %parallel_loop3A_222 = arith.index_cast %parallel_loop3A_214 : i32 to index
      %parallel_loop3A_223 = tpu.vector_load %parallel_loop3A_221[%parallel_loop3A_222] {strides = array<i32>} : memref<4096xf32, #tpu.memory_space<vmem>>, vector<16xf32>,
      tpu.vector_store %parallel_loop3A_221[%parallel_loop3A_222], %parallel_loop3A_219 {strides = array<i32>} : memref<4096xf32, #tpu.memory_space<vmem>>, vector<16xf32>,
    } {sc.loop_unroll_factor = 8 : i64, sc.parallel_access}
    %dma_start3A_135 = arith.constant 0 : i32
    %dma_start3A_136 = arith.constant 0 : i32
    %dma_start3A_137 = tpu.memref_slice %arg7[%dma_start3A_136] : memref<8192xf32, #tpu.memory_space<vmem>> -> memref<4096xf32, #tpu.memory_space<vmem>>
    %dma_start3A_138 = arith.constant 8192 : i32
    %dma_start3A_139 = tpu.memref_slice %arg4[%add3A, %dma_start3A_138] : memref<32x16384xf32, #tpu.memory_space<hbm>> -> memref<1x4096xf32, #tpu.memory_space<hbm>>
    %dma_start3A_140 = tpu.memref_squeeze %dma_start3A_139 : memref<1x4096xf32, #tpu.memory_space<hbm>> -> memref<4096xf32, #tpu.memory_space<hbm>>
    %dma_start3A_141 = tpu.memref_slice %arg10[%dma_start3A_135] : memref<2x!tpu.dma_semaphore, #tpu.memory_space<semaphore_mem>> -> memref<1x!tpu.dma_semaphore, #tpu.memory_space<semaphore_mem>>
    %dma_start3A_142 = tpu.memref_squeeze %dma_start3A_141 : memref<1x!tpu.dma_semaphore, #tpu.memory_space<semaphore_mem>> -> memref<!tpu.dma_semaphore, #tpu.memory_space<semaphore_mem>>
    %dma_start3A_143 = arith.constant 8192 : i32
    %dma_start3A_144 = tpu.memref_slice %arg4[%add3A, %dma_start3A_143] : memref<32x16384xf32, #tpu.memory_space<hbm>> -> memref<1x4096xf32, #tpu.memory_space<hbm>>
    %dma_start3A_145 = tpu.memref_squeeze %dma_start3A_144 : memref<1x4096xf32, #tpu.memory_space<hbm>> -> memref<4096xf32, #tpu.memory_space<hbm>>
    %dma_start3A_146 = arith.constant 0 : i32
    %dma_start3A_147 = tpu.memref_slice %arg7[%dma_start3A_146] : memref<8192xf32, #tpu.memory_space<vmem>> -> memref<4096xf32, #tpu.memory_space<vmem>>
    tpu.enqueue_dma source(%dma_start3A_147 : memref<4096xf32, #tpu.memory_space<vmem>>) target(%dma_start3A_145 : memref<4096xf32, #tpu.memory_space<hbm>>) target_semaphore(%dma_start3A_142 : memref<!tpu.dma_semaphore, #tpu.memory_space<semaphore_mem>>)
    %dma_wait3A_148 = arith.constant 3 : i32
    %dma_wait3A_149 = arith.constant 12288 : i32
    %dma_wait3A_150 = tpu.memref_slice %arg6[%dma_wait3A_149] : memref<16384xi32, #tpu.memory_space<vmem>> -> memref<4096xi32, #tpu.memory_space<vmem>>
    %dma_wait3A_151 = arith.constant 12288 : i32
    %dma_wait3A_152 = tpu.memref_slice %arg3[%dma_wait3A_151] : memref<16384xi32, #tpu.memory_space<hbm>> -> memref<4096xi32, #tpu.memory_space<hbm>>
    %dma_wait3A_153 = tpu.memref_slice %arg9[%dma_wait3A_148] : memref<4x!tpu.dma_semaphore, #tpu.memory_space<semaphore_mem>> -> memref<1x!tpu.dma_semaphore, #tpu.memory_space<semaphore_mem>>
    %dma_wait3A_154 = tpu.memref_squeeze %dma_wait3A_153 : memref<1x!tpu.dma_semaphore, #tpu.memory_space<semaphore_mem>> -> memref<!tpu.dma_semaphore, #tpu.memory_space<semaphore_mem>>
    %dma_wait3A_155 = arith.constant 12288 : i32
    %dma_wait3A_156 = tpu.memref_slice %arg6[%dma_wait3A_155] : memref<16384xi32, #tpu.memory_space<vmem>> -> memref<4096xi32, #tpu.memory_space<vmem>>
    %dma_wait3A_157 = arith.constant 12288 : i32
    %dma_wait3A_158 = tpu.memref_slice %arg3[%dma_wait3A_157] : memref<16384xi32, #tpu.memory_space<hbm>> -> memref<4096xi32, #tpu.memory_space<hbm>>
    tpu.wait_dma2 semaphore(%dma_wait3A_154 : memref<!tpu.dma_semaphore, #tpu.memory_space<semaphore_mem>>) src(%dma_wait3A_158 : memref<4096xi32, #tpu.memory_space<hbm>>) dst(%dma_wait3A_156 : memref<4096xi32, #tpu.memory_space<vmem>>)
    %dma_wait3A_159 = arith.constant 1 : i32
    %dma_wait3A_160 = arith.constant 4096 : i32
    %dma_wait3A_161 = tpu.memref_slice %arg7[%dma_wait3A_160] : memref<8192xf32, #tpu.memory_space<vmem>> -> memref<4096xf32, #tpu.memory_space<vmem>>
    %dma_wait3A_162 = arith.constant 4096 : i32
    %dma_wait3A_163 = tpu.memref_slice %arg4[%add3A, %dma_wait3A_162] : memref<32x16384xf32, #tpu.memory_space<hbm>> -> memref<1x4096xf32, #tpu.memory_space<hbm>>
    %dma_wait3A_164 = tpu.memref_squeeze %dma_wait3A_163 : memref<1x4096xf32, #tpu.memory_space<hbm>> -> memref<4096xf32, #tpu.memory_space<hbm>>
    %dma_wait3A_165 = tpu.memref_slice %arg10[%dma_wait3A_159] : memref<2x!tpu.dma_semaphore, #tpu.memory_space<semaphore_mem>> -> memref<1x!tpu.dma_semaphore, #tpu.memory_space<semaphore_mem>>
    %dma_wait3A_166 = tpu.memref_squeeze %dma_wait3A_165 : memref<1x!tpu.dma_semaphore, #tpu.memory_space<semaphore_mem>> -> memref<!tpu.dma_semaphore, #tpu.memory_space<semaphore_mem>>
    %dma_wait3A_167 = arith.constant 4096 : i32
    %dma_wait3A_168 = tpu.memref_slice %arg4[%add3A, %dma_wait3A_167] : memref<32x16384xf32, #tpu.memory_space<hbm>> -> memref<1x4096xf32, #tpu.memory_space<hbm>>
    %dma_wait3A_169 = tpu.memref_squeeze %dma_wait3A_168 : memref<1x4096xf32, #tpu.memory_space<hbm>> -> memref<4096xf32, #tpu.memory_space<hbm>>
    %dma_wait3A_170 = arith.constant 4096 : i32
    %dma_wait3A_171 = tpu.memref_slice %arg7[%dma_wait3A_170] : memref<8192xf32, #tpu.memory_space<vmem>> -> memref<4096xf32, #tpu.memory_space<vmem>>
    tpu.wait_dma2 semaphore(%dma_wait3A_166 : memref<!tpu.dma_semaphore, #tpu.memory_space<semaphore_mem>>) src(%dma_wait3A_171 : memref<4096xf32, #tpu.memory_space<vmem>>) dst(%dma_wait3A_169 : memref<4096xf32, #tpu.memory_space<hbm>>)
    %parallel_loop3A_172 = arith.constant 0 : i32
    %parallel_loop3A_173 = arith.constant 4096 : i32
    %parallel_loop3A_174 = arith.constant 16 : i32
    scf.for %parallel_loop3A_214 = %parallel_loop3A_172 to %parallel_loop3A_173 step %parallel_loop3A_174  : i32 {
      %parallel_loop3A_215 = arith.constant 12288 : i32
      %parallel_loop3A_216 = tpu.memref_slice %arg6[%parallel_loop3A_215] : memref<16384xi32, #tpu.memory_space<vmem>> -> memref<4096xi32, #tpu.memory_space<vmem>>
      %parallel_loop3A_217 = arith.index_cast %parallel_loop3A_214 : i32 to index
      %parallel_loop3A_218 = tpu.vector_load %parallel_loop3A_216[%parallel_loop3A_217] {strides = array<i32>} : memref<4096xi32, #tpu.memory_space<vmem>>, vector<16xi32>,
      %parallel_loop3A_219 = tpu.vector_load_idx %arg5[%parallel_loop3A_218] : memref<100001xf32, #tpu.memory_space<vmem>>[vector<16xi32>], vector<16xf32>,
      %parallel_loop3A_220 = arith.constant 4096 : i32
      %parallel_loop3A_221 = tpu.memref_slice %arg7[%parallel_loop3A_220] : memref<8192xf32, #tpu.memory_space<vmem>> -> memref<4096xf32, #tpu.memory_space<vmem>>
      %parallel_loop3A_222 = arith.index_cast %parallel_loop3A_214 : i32 to index
      %parallel_loop3A_223 = tpu.vector_load %parallel_loop3A_221[%parallel_loop3A_222] {strides = array<i32>} : memref<4096xf32, #tpu.memory_space<vmem>>, vector<16xf32>,
      tpu.vector_store %parallel_loop3A_221[%parallel_loop3A_222], %parallel_loop3A_219 {strides = array<i32>} : memref<4096xf32, #tpu.memory_space<vmem>>, vector<16xf32>,
    } {sc.loop_unroll_factor = 8 : i64, sc.parallel_access}
    %dma_start3A_175 = arith.constant 1 : i32
    %dma_start3A_176 = arith.constant 4096 : i32
    %dma_start3A_177 = tpu.memref_slice %arg7[%dma_start3A_176] : memref<8192xf32, #tpu.memory_space<vmem>> -> memref<4096xf32, #tpu.memory_space<vmem>>
    %dma_start3A_178 = arith.constant 12288 : i32
    %dma_start3A_179 = tpu.memref_slice %arg4[%add3A, %dma_start3A_178] : memref<32x16384xf32, #tpu.memory_space<hbm>> -> memref<1x4096xf32, #tpu.memory_space<hbm>>
    %dma_start3A_180 = tpu.memref_squeeze %dma_start3A_179 : memref<1x4096xf32, #tpu.memory_space<hbm>> -> memref<4096xf32, #tpu.memory_space<hbm>>
    %dma_start3A_181 = tpu.memref_slice %arg10[%dma_start3A_175] : memref<2x!tpu.dma_semaphore, #tpu.memory_space<semaphore_mem>> -> memref<1x!tpu.dma_semaphore, #tpu.memory_space<semaphore_mem>>
    %dma_start3A_182 = tpu.memref_squeeze %dma_start3A_181 : memref<1x!tpu.dma_semaphore, #tpu.memory_space<semaphore_mem>> -> memref<!tpu.dma_semaphore, #tpu.memory_space<semaphore_mem>>
    %dma_start3A_183 = arith.constant 12288 : i32
    %dma_start3A_184 = tpu.memref_slice %arg4[%add3A, %dma_start3A_183] : memref<32x16384xf32, #tpu.memory_space<hbm>> -> memref<1x4096xf32, #tpu.memory_space<hbm>>
    %dma_start3A_185 = tpu.memref_squeeze %dma_start3A_184 : memref<1x4096xf32, #tpu.memory_space<hbm>> -> memref<4096xf32, #tpu.memory_space<hbm>>
    %dma_start3A_186 = arith.constant 4096 : i32
    %dma_start3A_187 = tpu.memref_slice %arg7[%dma_start3A_186] : memref<8192xf32, #tpu.memory_space<vmem>> -> memref<4096xf32, #tpu.memory_space<vmem>>
    tpu.enqueue_dma source(%dma_start3A_187 : memref<4096xf32, #tpu.memory_space<vmem>>) target(%dma_start3A_185 : memref<4096xf32, #tpu.memory_space<hbm>>) target_semaphore(%dma_start3A_182 : memref<!tpu.dma_semaphore, #tpu.memory_space<semaphore_mem>>)
    %dma_wait3A_188 = arith.constant 0 : i32
    %dma_wait3A_189 = arith.constant 0 : i32
    %dma_wait3A_190 = tpu.memref_slice %arg7[%dma_wait3A_189] : memref<8192xf32, #tpu.memory_space<vmem>> -> memref<4096xf32, #tpu.memory_space<vmem>>
    %dma_wait3A_191 = arith.constant 8192 : i32
    %dma_wait3A_192 = tpu.memref_slice %arg4[%add3A, %dma_wait3A_191] : memref<32x16384xf32, #tpu.memory_space<hbm>> -> memref<1x4096xf32, #tpu.memory_space<hbm>>
    %dma_wait3A_193 = tpu.memref_squeeze %dma_wait3A_192 : memref<1x4096xf32, #tpu.memory_space<hbm>> -> memref<4096xf32, #tpu.memory_space<hbm>>
    %dma_wait3A_194 = tpu.memref_slice %arg10[%dma_wait3A_188] : memref<2x!tpu.dma_semaphore, #tpu.memory_space<semaphore_mem>> -> memref<1x!tpu.dma_semaphore, #tpu.memory_space<semaphore_mem>>
    %dma_wait3A_195 = tpu.memref_squeeze %dma_wait3A_194 : memref<1x!tpu.dma_semaphore, #tpu.memory_space<semaphore_mem>> -> memref<!tpu.dma_semaphore, #tpu.memory_space<semaphore_mem>>
    %dma_wait3A_196 = arith.constant 8192 : i32
    %dma_wait3A_197 = tpu.memref_slice %arg4[%add3A, %dma_wait3A_196] : memref<32x16384xf32, #tpu.memory_space<hbm>> -> memref<1x4096xf32, #tpu.memory_space<hbm>>
    %dma_wait3A_198 = tpu.memref_squeeze %dma_wait3A_197 : memref<1x4096xf32, #tpu.memory_space<hbm>> -> memref<4096xf32, #tpu.memory_space<hbm>>
    %dma_wait3A_199 = arith.constant 0 : i32
    %dma_wait3A_200 = tpu.memref_slice %arg7[%dma_wait3A_199] : memref<8192xf32, #tpu.memory_space<vmem>> -> memref<4096xf32, #tpu.memory_space<vmem>>
    tpu.wait_dma2 semaphore(%dma_wait3A_195 : memref<!tpu.dma_semaphore, #tpu.memory_space<semaphore_mem>>) src(%dma_wait3A_200 : memref<4096xf32, #tpu.memory_space<vmem>>) dst(%dma_wait3A_198 : memref<4096xf32, #tpu.memory_space<hbm>>)
    %dma_wait3A_201 = arith.constant 1 : i32
    %dma_wait3A_202 = arith.constant 4096 : i32
    %dma_wait3A_203 = tpu.memref_slice %arg7[%dma_wait3A_202] : memref<8192xf32, #tpu.memory_space<vmem>> -> memref<4096xf32, #tpu.memory_space<vmem>>
    %dma_wait3A_204 = arith.constant 12288 : i32
    %dma_wait3A_205 = tpu.memref_slice %arg4[%add3A, %dma_wait3A_204] : memref<32x16384xf32, #tpu.memory_space<hbm>> -> memref<1x4096xf32, #tpu.memory_space<hbm>>
    %dma_wait3A_206 = tpu.memref_squeeze %dma_wait3A_205 : memref<1x4096xf32, #tpu.memory_space<hbm>> -> memref<4096xf32, #tpu.memory_space<hbm>>
    %dma_wait3A_207 = tpu.memref_slice %arg10[%dma_wait3A_201] : memref<2x!tpu.dma_semaphore, #tpu.memory_space<semaphore_mem>> -> memref<1x!tpu.dma_semaphore, #tpu.memory_space<semaphore_mem>>
    %dma_wait3A_208 = tpu.memref_squeeze %dma_wait3A_207 : memref<1x!tpu.dma_semaphore, #tpu.memory_space<semaphore_mem>> -> memref<!tpu.dma_semaphore, #tpu.memory_space<semaphore_mem>>
    %dma_wait3A_209 = arith.constant 12288 : i32
    %dma_wait3A_210 = tpu.memref_slice %arg4[%add3A, %dma_wait3A_209] : memref<32x16384xf32, #tpu.memory_space<hbm>> -> memref<1x4096xf32, #tpu.memory_space<hbm>>
    %dma_wait3A_211 = tpu.memref_squeeze %dma_wait3A_210 : memref<1x4096xf32, #tpu.memory_space<hbm>> -> memref<4096xf32, #tpu.memory_space<hbm>>
    %dma_wait3A_212 = arith.constant 4096 : i32
    %dma_wait3A_213 = tpu.memref_slice %arg7[%dma_wait3A_212] : memref<8192xf32, #tpu.memory_space<vmem>> -> memref<4096xf32, #tpu.memory_space<vmem>>
    tpu.wait_dma2 semaphore(%dma_wait3A_208 : memref<!tpu.dma_semaphore, #tpu.memory_space<semaphore_mem>>) src(%dma_wait3A_213 : memref<4096xf32, #tpu.memory_space<vmem>>) dst(%dma_wait3A_211 : memref<4096xf32, #tpu.memory_space<hbm>>)
    return
  }
}

</mosaic_0001>

<sc_bundles>
// kernel: kernel.3.cloned.1.call-start
scs
__scs_entry_jumppad:
0x0: {  	(pc) =	sbr.rel $0x88, $3  }
0x1: {  	(tag) =	ssettag $0x0;
	lr =	simm.s32 $0x1  }
0x2: {  	[smem:$0x3F9F] =	sst lr;
	_ =	strace $0xD0000000  }
0x3: {  	_ = 	snop  }
0x4: {  	_ = 	snop  }
0x5: {  	_ = 	snop  }
0x6: {  	_ = 	snop  }
0x7: {  	_ = 	snop  }
__scs_overlays_trampoline_lowered:
0x8: {  	[smem:$0x3FAE] =	sst s0  }
0x9: {  	[smem:$0x3FAF] =	sst s1  }
0xa: {  	[smem:$0x3FB0] =	sst s2  }
0xb: {  	[smem:$0x3FB1] =	sst s3  }
0xc: {  	[smem:$0x3FB2] =	sst s4  }
0xd: {  	[smem:$0x3FB3] =	sst s5  }
0xe: {  	[smem:$0x3FB4] =	sst s6  }
0xf: {  	[smem:$0x3FB5] =	sst s7  }
0x10: {  	[smem:$0x3FB6] =	sst s8  }
0x11: {  	[smem:$0x3FB7] =	sst s9;
	s0 =	simm.s32 @!p0 $0x0  }
0x12: {  	s1 =	sld [smem:$0x3F9D];
	s0 =	simm.s32 @p0 $0x1  }
0x13: {  	[smem:$0x3FB8] =	sst s0;
	s0 =	simm.s32 @!p1 $0x0  }
0x14: {  	s2 =	sld [smem:$0x3F9C];
	s0 =	simm.s32 @p1 $0x1  }
0x15: {  	[smem:$0x3FB9] =	sst s0;
	s0 =	simm.s32 @!p2 $0x0  }
0x16: {  	s3 =	sld [smem:$0x3FDB];
	s0 =	simm.s32 @p2 $0x1  }
0x17: {  	s4 =	simm.s32 $0x1BF5;
	[smem:$0x3FBB] =	sst s0  }
0x18: {  	s0 =	sld [smem:$0x3F9E];
	_ =	swait.ge [sflag:s4], $0x0  }
0x19: {  	s7 =	sld [smem:$0x3F9F]  }
0x1a: {  	s8 =	sadd.s32 $0xFFFFE003, lr  }
0x1b: {  	s9 =	sadd.s32 $0xFFFFFEF7, lr;
	s5 =	simm.s32 $0xFFFFFFFF;
	p2 =	slt.u32 s8, $0xFFFFF086  }
0x1c: {  	p1 =	slt.u32 s9, $0xF7A;
	s5 =	simm.s32 @!p2 $0x0  }
0x1d: {  	s5 =	simm.s32 @p1 $0x1;
	p0 =	seq.s32 s7, s2  }
0x1e: {  	s7 =	smul.u32 @!p0 $0xF7A, s2;
	p2 =	seq.s32 @!p0 s5, $0x0  }
0x1f: {  	s9 =	smul.u32 $0xF7A, s1;
	s8 =	simm.s32 @!p0 $0x1BF5;
	p2 =	por !p2, p0  }
0x20: {  	[sflag:s8] =	ssyncset.s32 @!p0 $0xFFFFF086;
	s6 =	sadd.s32 @!p0 s3, s7;
	s7 =	simm.s32 @!p0 $0x108  }
0x21: {  	s3 =	sadd.s32 s3, s9;
	s6 =	sadd.s32 @!p0 $0x88, s6;
	s7 =	simm.s32 @p2 $0x1082  }
0x22: {  	[simem:s7], [sflag:s8] =	dma.local @!p0 [hbm:s6], $0xF7A  }
0x23: {  	s9 =	sor.u32 $0xD0000000, s2;
	s6 =	simm.s32 $0x108;
	_ =	swait.ge @!p0 [sflag:s8], $0x0  }
0x24: {  	s3 =	sadd.s32 $0x88, s3;
	s6 =	simm.s32 @!p1 $0x1082;
	[sflag:s4] =	ssyncset.s32 $0xFFFFF086  }
0x25: {  	[simem:s6], [sflag:s4] =	dma.local [hbm:s3], $0xF7A  }
0x26: {  	[smem:$0x3F9F] =	sst s1;
	(tag) =	ssettag s2;
	_ =	strace s9  }
0x27: {  	s1 =	sld [smem:$0x3FAF]  }
0x28: {  	s2 =	sld [smem:$0x3FB0]  }
0x29: {  	s4 =	sld [smem:$0x3FB2]  }
0x2a: {  	p0 =	seq.s32 s5, $0x0;
	s5 =	sld [smem:$0x3FB3]  }
0x2b: {  	s6 =	sld [smem:$0x3FB4]  }
0x2c: {  	s7 =	sld [smem:$0x3FB5]  }
0x2d: {  	s3 =	simm.s32 $0x108;
	s8 =	sld [smem:$0x3FB6]  }
0x2e: {  	s3 =	simm.s32 @!p0 $0x1082;
	s9 =	sld [smem:$0x3FB7]  }
0x2f: {  	lr =	sadd.s32 s0, s3;
	s0 =	sld [smem:$0x3FAE]  }
0x30: {  	s3 =	sld [smem:$0x3FB1]  }
0x31: {  	[smem:$0x3FBA] =	sst s10  }
0x32: {  	s10 =	sld [smem:$0x3FB8];
	_ =	sdelay $0x3  }
0x33: {  	p0 =	seq.s32 s10, $0x1;
	s10 =	sld [smem:$0x3FBA];
	_ =	sdelay $0x3  }
0x34: {  	[smem:$0x3FBA] =	sst s10  }
0x35: {  	s10 =	sld [smem:$0x3FB9];
	_ =	sdelay $0x3  }
0x36: {  	p1 =	seq.s32 s10, $0x1;
	s10 =	sld [smem:$0x3FBA];
	_ =	sdelay $0x3  }
0x37: {  	[smem:$0x3FBA] =	sst s10  }
0x38: {  	s10 =	sld [smem:$0x3FBB]  }
0x39: {  	_ = 	snop;
	(pc) =	sbr.ind lr, $3  }
0x3a: {  	_ = 	snop  }
0x3b: {  	_ = 	snop  }
0x3c: {  	p2 =	seq.s32 s10, $0x1;
	s10 =	sld [smem:$0x3FBA]  }
0x3d: {  	_ =	shalt  }
0x3e: {  	_ =	shalt  }
0x3f: {  	_ =	shalt  }
0x40: {  	_ =	shalt  }
0x41: {  	_ =	shalt  }
0x42: {  	_ =	shalt  }
0x43: {  	_ =	shalt  }
0x44: {  	_ =	shalt  }
0x45: {  	_ =	shalt  }
0x46: {  	_ =	shalt  }
0x47: {  	_ =	shalt  }
0x48: {  	_ =	shalt  }
0x49: {  	_ =	shalt  }
0x4a: {  	_ =	shalt  }
0x4b: {  	_ =	shalt  }
0x4c: {  	_ =	shalt  }
0x4d: {  	_ =	shalt  }
0x4e: {  	_ =	shalt  }
0x4f: {  	_ =	shalt  }
0x50: {  	_ =	shalt  }
0x51: {  	_ =	shalt  }
0x52: {  	_ =	shalt  }
0x53: {  	_ =	shalt  }
0x54: {  	_ =	shalt  }
0x55: {  	_ =	shalt  }
0x56: {  	_ =	shalt  }
0x57: {  	_ =	shalt  }
0x58: {  	_ =	shalt  }
0x59: {  	_ =	shalt  }
0x5a: {  	_ =	shalt  }
0x5b: {  	_ =	shalt  }
0x5c: {  	_ =	shalt  }
0x5d: {  	_ =	shalt  }
0x5e: {  	_ =	shalt  }
0x5f: {  	_ =	shalt  }
0x60: {  	_ =	shalt  }
0x61: {  	_ =	shalt  }
0x62: {  	_ =	shalt  }
0x63: {  	_ =	shalt  }
0x64: {  	_ =	shalt  }
0x65: {  	_ =	shalt  }
0x66: {  	_ =	shalt  }
0x67: {  	_ =	shalt  }
0x68: {  	_ =	shalt  }
0x69: {  	_ =	shalt  }
0x6a: {  	_ =	shalt  }
0x6b: {  	_ =	shalt  }
0x6c: {  	_ =	shalt  }
0x6d: {  	_ =	shalt  }
0x6e: {  	_ =	shalt  }
0x6f: {  	_ =	shalt  }
0x70: {  	_ =	shalt  }
0x71: {  	_ =	shalt  }
0x72: {  	_ =	shalt  }
0x73: {  	_ =	shalt  }
0x74: {  	_ =	shalt  }
0x75: {  	_ =	shalt  }
0x76: {  	_ =	shalt  }
0x77: {  	_ =	shalt  }
0x78: {  	_ =	shalt  }
0x79: {  	_ =	shalt  }
0x7a: {  	_ =	shalt  }
0x7b: {  	_ =	shalt  }
0x7c: {  	_ =	shalt  }
0x7d: {  	_ =	shalt  }
0x7e: {  	_ =	shalt  }
0x7f: {  	_ =	shalt  }
0x80: {  	_ =	shalt  }
0x81: {  	_ =	shalt  }
0x82: {  	_ =	shalt  }
0x83: {  	_ =	shalt  }
0x84: {  	_ =	shalt  }
0x85: {  	_ =	shalt  }
0x86: {  	_ =	shalt  }
0x87: {  	_ =	shalt  }
.Lfunc_end0:
.L_simem_size_0:
called_computation_lowered:
.L_overlay_start_0:
0x88: {  	s2 =	sld [smem:$0x3FD9]  }
0x89: {  	s3 =	sld [smem:$0x3FFE];
	_ =	sdelay $0x1  }
0x8a: {  	s1 =	srdreg.scid  }
0x8b: {  	s0 =	sand.u32 $0x1, s1  }
0x8c: {  	s18 =	sshll.u32 s0, $0xA;
	s2 =	sadd.s32 s3, s2  }
0x8d: {  	s2 =	sadd.s32 s2, s18  }
0x8e: {  	[smem:$0x3FC6] =	sst s2  }
0x8f: {  	_ = 	snop  }
0x90: {  	s2 =	sld [smem:$0x3FC9]  }
0x91: {  	s19 =	sld [smem:$0x3FC8]  }
0x92: {  	s4 =	sld [smem:$0x3FD0];
	(tm) =	ssettm $0x1  }
0x93: {  	s5 =	sld [smem:$0x3FFB];
	_ =	sdelay $0x3  }
0x94: {  	_ =	strace s5  }
0x95: {  	s5 =	sld [smem:$0x3FFC];
	_ =	sdelay $0x3  }
0x96: {  	_ =	strace s5  }
0x97: {  	s5 =	sld [smem:$0x3FFD];
	_ =	sdelay $0x3  }
0x98: {  	_ =	strace s5  }
0x99: {  	_ =	strace $0x8FFFFFFF  }
0x9a: {  	s20 =	sld [smem:$0x3FDB];
	_ =	sdelay $0x1  }
0x9b: {  	s6 =	simm.s32 $_scs_section_size  }
0x9c: {  	s7 =	simm.s32 $_size__tile_overlayer_lowered;
	s8 =	simm.s32 $_tile_overlayer_lowered  }
0x9d: {  	s23 =	simm.s32 $0x1BFF;
	s22 =	sshll.u32 s8, $0x1;
	s5 =	sadd.s32 s6, s20  }
0x9e: {  	s9 =	simm.s32 $0x0;
	s21 =	sshll.u32 s7, $0x1;
	s7 =	sadd.s32 s22, s5  }
0x9f: {  	[timem:s9], [sflag:s23] =	dma.local [hbm:s7], s21  }
0xa0: {  	_ =	swait.ge [sflag:s23], s21  }
0xa1: {  	s6 =	ssub.s32 $0x0, s21;
	[sflag:s23] =	ssyncset.done $0x0  }
0xa2: {  	[sflag:s23] =	ssyncadd.s32 s6;
	_ =	sdelay $0x1  }
0xa3: {  	s24 =	simm.s32 $0x1B8B  }
0xa4: {  	_ =	swait.ge [sflag:s24], $0x1  }
0xa5: {  	[sflag:s24] =	ssyncset.done $0x0  }
0xa6: {  	s25 =	simm.s32 $0x1B8E;
	[sflag:s24] =	ssyncadd.s32 $0xFFFFFFFF  }
0xa7: {  	s26 =	simm.s32 $execute0_lowered;
	[smem:$0x3FD2] =	sst s25  }
0xa8: {  	s6 =	sshll.u32 s26, $0x1;
	_ =	strace $0x80000046;
	[dreg:$0x1] =	wrdreg $0xFFFFFFFF  }
0xa9: {  	s28 =	simm.s32 $_size_execute0_lowered;
	s5 =	sadd.s32 s5, s6;
	[dreg:$0x0] =	wrdreg $0x0  }
0xaa: {  	s6 =	sshll.u32 s28, $0x1;
	[dreg:$0x2] =	wrdreg s5  }
0xab: {  	[dreg:$0x3] =	wrdreg s6  }
0xac: {  	[dreg:$0x4] =	wrdreg $0xC0  }
0xad: {  	_ =	task [dreg:s9], $0x5FFFF  }
0xae: {  	[dreg:$0x1] =	wrdreg $0xFFFFFFFF  }
0xaf: {  	[dreg:$0x0] =	wrdreg $0x60  }
0xb0: {  	[dreg:$0x2] =	wrdreg s19  }
0xb1: {  	[dreg:$0x3] =	wrdreg s2  }
0xb2: {  	[dreg:$0x4] =	wrdreg s4  }
0xb3: {  	[dreg:$0x5] =	wrdreg $0x9  }
0xb4: {  	_ =	task.clear_ibuf [dreg:s9], $0x6FFFF;
	_ =	strace $0x90000046  }
0xb5: {  	s29 =	simm.s32 $0x9;
	_ =	strace $0x80000048  }
0xb6: {  	_ =	swait.ge [sflag:s29], $0x1  }
0xb7: {  	[sflag:s29] =	ssyncadd.s32 $0xFFFFFFFF  }
0xb8: {  	_ =	strace $0x90000048  }
0xb9: {  	_ =	sfence  }
0xba: {  	s30 =	sld [smem:$0x0];
	_ =	sdelay $0x2  }
0xbb: {  	s31 =	sshll.u32 s1, $0xD;
	s1 =	sshrl.u32 s1, $0x2  }
0xbc: {  	s3 =	sand.u32 $0x4000, s31;
	s1 =	sadd.s32 s1, s30  }
0xbd: {  	s0 =	sor.u32 s3, s0;
	s1 =	sshll.u32 s1, $0x11  }
0xbe: {  	s0 =	sor.u32 s1, s0  }
0xbf: {  	s0 =	sadd.s32 $0x8F2B, s0  }
0xc0: {  	[sflag:s0] =	ssyncadd.remote.s32 $0x1  }
0xc1: {  	_ =	sfence.sel $0xFFFF  }
0xc2: {  	[dreg:$0x0] =	wrdreg $0xFFFFFFFF;
	(pc) =	sbr.abs _section_cstart, $3  }
0xc3: {  	[dreg:$0x1] =	wrdreg $0xFFFFFFFF  }
0xc4: {  	_ =	task.clear_ibuf [dreg:s9], $0x2FFFF;
	_ =	strace $0x9FFFFFFF  }
0xc5: {  	(tm) =	ssettm $0x7FFFFFFF  }
tec
execute0_lowered:
.L_overlay_start_1:
0x0: {  	(tag) =	ssettag $0x1  }
0x1: {  	s0 =	rddreg [dreg:$0x0]  }
0x2: {  	s1 =	rddreg [dreg:$0x1]  }
0x3: {  	s7 =	rddreg [dreg:$0x2]  }
0x4: {  	s3 =	simm.s32 $0x0;
	s4 =	srdreg.scid;
	s2 =	stileid.u32  }
0x5: {  	s13 =	simm.s32 $0x80;
	s14 =	simm.s32 $0x400;
	s15 =	simm.s32 $0x18700  }
0x6: {  	s16 =	simm.s32 $0x19700;
	s17 =	simm.s32 $0x1A700;
	s18 =	simm.s32 $0x1B700  }
0x7: {  	s19 =	simm.s32 $0x1;
	s20 =	simm.s32 $0x2;
	s21 =	simm.s32 $0x1C700  }
0x8: {  	s22 =	simm.s32 $0x3;
	s23 =	simm.s32 $0x1D700;
	s24 =	simm.s32 $0x4  }
0x9: {  	s25 =	simm.s32 $0x6;
	s26 =	simm.s32 $0x5;
	s28 =	simm.s32 $0x7  }
0xa: {  	s29 =	simm.s32 $0x0;
	[smem:$0x7FF] =	sst s3;
	s4 =	sand.u32 $0x1, s4  }
0xb: {  	s5 =	sshrl.u32 s2, $0x2;
	s6 =	sshll.u32 s2, $0x8;
	s8 =	sshll.u32 s4, $0x7  }
0xc: {  	s6 =	sand.u32 $0x300, s6;
	s9 =	smul.u32 $0xC3800, s5;
	_ =	strace $0x80000047  }
0xd: {  	s4 =	ssub.s32 $0x2, s4;
	s5 =	sshll.u32 s5, $0x11;
	s6 =	sor.u32 s8, s6  }
0xe: {  	s30 =	sshrl.u32 s4, $0x1;
	s8 =	sor.u32 s9, s6;
	s5 =	sor.u32 s5, s6  }
0xf: {  	s12 =	ssub.s32 s4, s30;
	s6 =	sadd.s32 $0x400, s1;
	s8 =	sshrl.u32 s8, $0x3  }
0x10: {  	s31 =	sshrl.u32 s5, $0x3;
	s5 =	sadd.s32 $0x200, s1;
	s12 =	smax.u32 s12, $0x1  }
0x11: {  	s4 =	sadd.s32 s0, s8;
	s7 =	sadd.s32 s7, s31;
	s8 =	sadd.s32 $0x600, s1  }
0x12: {  	s9 =	sadd.s32 $0x1000, s7;
	s10 =	sadd.s32 $0x2000, s7;
	s11 =	sadd.s32 $0x3000, s7  }
.LBB2_1:
0x13: {  	[tilespmem:s3], [sflag:$0x1] =	stream.strided.gather [hbm4b:s4+s13], $0x18700, s14, s13, $0x38;
	[tilespmem:$0x1E700] =	vst v63  }
0x14: {  	_ = 	snop  }
0x15: {  	[tilespmem:s15], [sflag:$0x2] =	stream.linear.gather [hbm4b:s1+s3], $0x1000, $0x38;
	[tilespmem:$0x1E700] =	vst v63  }
0x16: {  	_ = 	snop  }
0x17: {  	[tilespmem:s16], [sflag:$0x3] =	stream.linear.gather [hbm4b:s5+s3], $0x1000, $0x38;
	[tilespmem:$0x1E700] =	vst v63  }
0x18: {  	_ = 	snop  }
0x19: {  	[tilespmem:s17], [sflag:$0x4] =	stream.linear.gather [hbm4b:s6+s3], $0x1000, $0x38;
	[tilespmem:$0x1E700] =	vst v63  }
0x1a: {  	_ = 	snop  }
0x1b: {  	[tilespmem:s18], [sflag:$0x5] =	stream.linear.gather [hbm4b:s8+s3], $0x1000, $0x38;
	[tilespmem:$0x1E700] =	vst v63  }
0x1c: {  	_ =	swait.ge [sflag:s19], $0x18700  }
0x1d: {  	[sflag:s19] =	ssyncset.done $0x0  }
0x1e: {  	[sflag:s19] =	ssyncadd.s32 $0xFFFE7900  }
0x1f: {  	_ =	swait.ge [sflag:s20], $0x1000  }
0x20: {  	[sflag:s20] =	ssyncset.done $0x0  }
0x21: {  	s0 =	simm.s32 $0x18740;
	[sflag:s20] =	ssyncadd.s32 $0xFFFFF000  }
0x22: {  	v0 =	vld [tilespmem:s0+$0x30]  }
0x23: {  	v1 =	vld [tilespmem:s0+$0xFFFFFFD0]  }
0x24: {  	v2 =	vld [tilespmem:s0+$0xFFFFFFE0]  }
0x25: {  	v3 =	vld [tilespmem:s0+$0xFFFFFFF0]  }
0x26: {  	v4 =	vld [tilespmem:s0+$0x0]  }
0x27: {  	v6 =	vld [tilespmem:s0+$0x10]  }
0x28: {  	v7 =	vld [tilespmem:s0+$0x20]  }
0x29: {  	v8 =	vld [tilespmem:s0+$0xFFFFFFC0]  }
0x2a: {  	v9 =	vld.idx.msk [tilespmem:v0+s3+$0x0], $0xffff  }
0x2b: {  	v10 =	vld.idx.msk [tilespmem:v1+s3+$0x0], $0xffff  }
0x2c: {  	v5 =	vld.idx.msk [tilespmem:v2+s3+$0x0], $0xffff  }
0x2d: {  	v3 =	vld.idx.msk [tilespmem:v3+s3+$0x0], $0xffff  }
0x2e: {  	v0 =	vld.idx.msk [tilespmem:v4+s3+$0x0], $0xffff  }
0x2f: {  	s30 =	simm.s32 $0x1C740;
	v1 =	vld.idx.msk [tilespmem:v6+s3+$0x0], $0xffff  }
0x30: {  	v2 =	vld.idx.msk [tilespmem:v7+s3+$0x0], $0xffff;
	[tilespmem:s30+$0x30] =	vst v9  }
0x31: {  	s31 =	simm.s32 $0x0;
	s0 =	simm.s32 $0x187C0;
	v4 =	vld.idx.msk [tilespmem:v8+s3+$0x0], $0xffff;
	[tilespmem:s30+$0xFFFFFFD0] =	vst v10  }
.LBB2_2:
0x32: {  	v6 =	vld [tilespmem:s0+$0x30];
	s31 =	sadd.s32 $0x80, s31;
	[tilespmem:s30+$0xFFFFFFE0] =	vst v5  }
0x33: {  	v5 =	vld [tilespmem:s0+$0xFFFFFFD0];
	p0 =	slt.u32 s31, $0xF80;
	[tilespmem:s30+$0xFFFFFFF0] =	vst v3  }
0x34: {  	v3 =	vld [tilespmem:s0+$0xFFFFFFE0];
	[tilespmem:s30+$0x0] =	vst v0  }
0x35: {  	v0 =	vld [tilespmem:s0+$0xFFFFFFF0];
	[tilespmem:s30+$0x10] =	vst v1  }
0x36: {  	v1 =	vld [tilespmem:s0+$0x0];
	[tilespmem:s30+$0x20] =	vst v2  }
0x37: {  	v2 =	vld [tilespmem:s0+$0x10];
	[tilespmem:s30+$0xFFFFFFC0] =	vst v4  }
0x38: {  	v4 =	vld [tilespmem:s0+$0x20]  }
0x39: {  	v7 =	vld [tilespmem:s0+$0xFFFFFFC0]  }
0x3a: {  	v6 =	vld.idx.msk [tilespmem:v6+s3+$0x0], $0xffff  }
0x3b: {  	v8 =	vld.idx.msk [tilespmem:v5+s3+$0x0], $0xffff  }
0x3c: {  	v5 =	vld.idx.msk [tilespmem:v3+s3+$0x0], $0xffff  }
.Ltmp0:
0x3d: {  	v3 =	vld.idx.msk [tilespmem:v0+s3+$0x0], $0xffff;
	(pc) =	sbr.rel @p0 .LBB2_2-.Ltmp0, $4  }
0x3e: {  	v0 =	vld.idx.msk [tilespmem:v1+s3+$0x0], $0xffff  }
0x3f: {  	s30 =	sadd.s32 $0x80, s30;
	v1 =	vld.idx.msk [tilespmem:v2+s3+$0x0], $0xffff  }
0x40: {  	v2 =	vld.idx.msk [tilespmem:v4+s3+$0x0], $0xffff;
	[tilespmem:s30+$0x30] =	vst v6  }
0x41: {  	s0 =	sadd.s32 $0x80, s0;
	v4 =	vld.idx.msk [tilespmem:v7+s3+$0x0], $0xffff;
	[tilespmem:s30+$0xFFFFFFD0] =	vst v8  }
0x42: {  	[tilespmem:s30+$0xFFFFFFE0] =	vst v5  }
0x43: {  	[tilespmem:s30+$0xFFFFFFF0] =	vst v3  }
0x44: {  	[tilespmem:s30+$0x0] =	vst v0  }
0x45: {  	[tilespmem:s30+$0x10] =	vst v1  }
0x46: {  	[tilespmem:s30+$0x20] =	vst v2  }
0x47: {  	[tilespmem:s30+$0xFFFFFFC0] =	vst v4  }
0x48: {  	[hbm4b:s7+s13] =	stream.strided.scatter [tilespmem:s21], [sflag:$0x6], $0x1000, s14, s13, $0x38;
	[tilespmem:$0x1E700] =	vst v63  }
0x49: {  	_ =	swait.ge [sflag:s22], $0x1000  }
0x4a: {  	[sflag:s22] =	ssyncset.done $0x0  }
0x4b: {  	s0 =	simm.s32 $0x19770;
	[sflag:s22] =	ssyncadd.s32 $0xFFFFF000  }
0x4c: {  	v0 =	vld [tilespmem:s0+$0x0]  }
0x4d: {  	v1 =	vld [tilespmem:s0+$0xFFFFFFA0]  }
0x4e: {  	v2 =	vld [tilespmem:s0+$0xFFFFFFB0]  }
0x4f: {  	v3 =	vld [tilespmem:s0+$0xFFFFFFC0]  }
0x50: {  	v4 =	vld [tilespmem:s0+$0xFFFFFFD0]  }
0x51: {  	v6 =	vld [tilespmem:s0+$0xFFFFFFE0]  }
0x52: {  	v7 =	vld [tilespmem:s0+$0xFFFFFFF0]  }
0x53: {  	v8 =	vld [tilespmem:s0+$0xFFFFFF90]  }
0x54: {  	v9 =	vld.idx.msk [tilespmem:v0+s3+$0x0], $0xffff  }
0x55: {  	v10 =	vld.idx.msk [tilespmem:v1+s3+$0x0], $0xffff  }
0x56: {  	v5 =	vld.idx.msk [tilespmem:v2+s3+$0x0], $0xffff  }
0x57: {  	v3 =	vld.idx.msk [tilespmem:v3+s3+$0x0], $0xffff  }
0x58: {  	v0 =	vld.idx.msk [tilespmem:v4+s3+$0x0], $0xffff  }
0x59: {  	s30 =	simm.s32 $0x1D770;
	v1 =	vld.idx.msk [tilespmem:v6+s3+$0x0], $0xffff  }
0x5a: {  	v2 =	vld.idx.msk [tilespmem:v7+s3+$0x0], $0xffff;
	[tilespmem:s30+$0x0] =	vst v9  }
0x5b: {  	s31 =	simm.s32 $0x0;
	s0 =	simm.s32 $0x197F0;
	v4 =	vld.idx.msk [tilespmem:v8+s3+$0x0], $0xffff;
	[tilespmem:s30+$0xFFFFFFA0] =	vst v10  }
.LBB2_4:
0x5c: {  	v6 =	vld [tilespmem:s0+$0x0];
	s31 =	sadd.s32 $0x80, s31;
	[tilespmem:s30+$0xFFFFFFB0] =	vst v5  }
0x5d: {  	v5 =	vld [tilespmem:s0+$0xFFFFFFA0];
	p0 =	slt.u32 s31, $0xF80;
	[tilespmem:s30+$0xFFFFFFC0] =	vst v3  }
0x5e: {  	v3 =	vld [tilespmem:s0+$0xFFFFFFB0];
	[tilespmem:s30+$0xFFFFFFD0] =	vst v0  }
0x5f: {  	v0 =	vld [tilespmem:s0+$0xFFFFFFC0];
	[tilespmem:s30+$0xFFFFFFE0] =	vst v1  }
0x60: {  	v1 =	vld [tilespmem:s0+$0xFFFFFFD0];
	[tilespmem:s30+$0xFFFFFFF0] =	vst v2  }
0x61: {  	v2 =	vld [tilespmem:s0+$0xFFFFFFE0];
	[tilespmem:s30+$0xFFFFFF90] =	vst v4  }
0x62: {  	v4 =	vld [tilespmem:s0+$0xFFFFFFF0]  }
0x63: {  	v7 =	vld [tilespmem:s0+$0xFFFFFF90]  }
0x64: {  	v6 =	vld.idx.msk [tilespmem:v6+s3+$0x0], $0xffff  }
0x65: {  	v8 =	vld.idx.msk [tilespmem:v5+s3+$0x0], $0xffff  }
0x66: {  	v5 =	vld.idx.msk [tilespmem:v3+s3+$0x0], $0xffff  }
.Ltmp1:
0x67: {  	v3 =	vld.idx.msk [tilespmem:v0+s3+$0x0], $0xffff;
	(pc) =	sbr.rel @p0 .LBB2_4-.Ltmp1, $4  }
0x68: {  	v0 =	vld.idx.msk [tilespmem:v1+s3+$0x0], $0xffff  }
0x69: {  	s30 =	sadd.s32 $0x80, s30;
	v1 =	vld.idx.msk [tilespmem:v2+s3+$0x0], $0xffff  }
0x6a: {  	v2 =	vld.idx.msk [tilespmem:v4+s3+$0x0], $0xffff;
	[tilespmem:s30+$0x0] =	vst v6  }
0x6b: {  	s0 =	sadd.s32 $0x80, s0;
	v4 =	vld.idx.msk [tilespmem:v7+s3+$0x0], $0xffff;
	[tilespmem:s30+$0xFFFFFFA0] =	vst v8  }
0x6c: {  	[tilespmem:s30+$0xFFFFFFB0] =	vst v5  }
0x6d: {  	[tilespmem:s30+$0xFFFFFFC0] =	vst v3  }
0x6e: {  	[tilespmem:s30+$0xFFFFFFD0] =	vst v0  }
0x6f: {  	[tilespmem:s30+$0xFFFFFFE0] =	vst v1  }
0x70: {  	[tilespmem:s30+$0xFFFFFFF0] =	vst v2  }
0x71: {  	[tilespmem:s30+$0xFFFFFF90] =	vst v4  }
0x72: {  	[hbm4b:s9+s13] =	stream.strided.scatter [tilespmem:s23], [sflag:$0x7], $0x1000, s14, s13, $0x38;
	[tilespmem:$0x1E700] =	vst v63  }
0x73: {  	_ =	swait.ge [sflag:s24], $0x1000  }
0x74: {  	[sflag:s24] =	ssyncset.done $0x0  }
0x75: {  	[sflag:s24] =	ssyncadd.s32 $0xFFFFF000  }
0x76: {  	_ =	swait.ge [sflag:s25], $0x1000  }
0x77: {  	[sflag:s25] =	ssyncset.done $0x0  }
0x78: {  	s0 =	simm.s32 $0x1A770;
	[sflag:s25] =	ssyncadd.s32 $0xFFFFF000  }
0x79: {  	v0 =	vld [tilespmem:s0+$0x0]  }
0x7a: {  	v1 =	vld [tilespmem:s0+$0xFFFFFFA0]  }
0x7b: {  	v2 =	vld [tilespmem:s0+$0xFFFFFFB0]  }
0x7c: {  	v3 =	vld [tilespmem:s0+$0xFFFFFFC0]  }
0x7d: {  	v4 =	vld [tilespmem:s0+$0xFFFFFFD0]  }
0x7e: {  	v6 =	vld [tilespmem:s0+$0xFFFFFFE0]  }
0x7f: {  	v7 =	vld [tilespmem:s0+$0xFFFFFFF0]  }
0x80: {  	v8 =	vld [tilespmem:s0+$0xFFFFFF90]  }
0x81: {  	v9 =	vld.idx.msk [tilespmem:v0+s3+$0x0], $0xffff  }
0x82: {  	v10 =	vld.idx.msk [tilespmem:v1+s3+$0x0], $0xffff  }
0x83: {  	v5 =	vld.idx.msk [tilespmem:v2+s3+$0x0], $0xffff  }
0x84: {  	v3 =	vld.idx.msk [tilespmem:v3+s3+$0x0], $0xffff  }
0x85: {  	v0 =	vld.idx.msk [tilespmem:v4+s3+$0x0], $0xffff  }
0x86: {  	s30 =	simm.s32 $0x1C740;
	v1 =	vld.idx.msk [tilespmem:v6+s3+$0x0], $0xffff  }
0x87: {  	v2 =	vld.idx.msk [tilespmem:v7+s3+$0x0], $0xffff;
	[tilespmem:s30+$0x30] =	vst v9  }
0x88: {  	s31 =	simm.s32 $0x0;
	s0 =	simm.s32 $0x1A7F0;
	v4 =	vld.idx.msk [tilespmem:v8+s3+$0x0], $0xffff;
	[tilespmem:s30+$0xFFFFFFD0] =	vst v10  }
.LBB2_6:
0x89: {  	v6 =	vld [tilespmem:s0+$0x0];
	s31 =	sadd.s32 $0x80, s31;
	[tilespmem:s30+$0xFFFFFFE0] =	vst v5  }
0x8a: {  	v5 =	vld [tilespmem:s0+$0xFFFFFFA0];
	p0 =	slt.u32 s31, $0xF80;
	[tilespmem:s30+$0xFFFFFFF0] =	vst v3  }
0x8b: {  	v3 =	vld [tilespmem:s0+$0xFFFFFFB0];
	[tilespmem:s30+$0x0] =	vst v0  }
0x8c: {  	v0 =	vld [tilespmem:s0+$0xFFFFFFC0];
	[tilespmem:s30+$0x10] =	vst v1  }
0x8d: {  	v1 =	vld [tilespmem:s0+$0xFFFFFFD0];
	[tilespmem:s30+$0x20] =	vst v2  }
0x8e: {  	v2 =	vld [tilespmem:s0+$0xFFFFFFE0];
	[tilespmem:s30+$0xFFFFFFC0] =	vst v4  }
0x8f: {  	v4 =	vld [tilespmem:s0+$0xFFFFFFF0]  }
0x90: {  	v7 =	vld [tilespmem:s0+$0xFFFFFF90]  }
0x91: {  	v6 =	vld.idx.msk [tilespmem:v6+s3+$0x0], $0xffff  }
0x92: {  	v8 =	vld.idx.msk [tilespmem:v5+s3+$0x0], $0xffff  }
0x93: {  	v5 =	vld.idx.msk [tilespmem:v3+s3+$0x0], $0xffff  }
.Ltmp2:
0x94: {  	v3 =	vld.idx.msk [tilespmem:v0+s3+$0x0], $0xffff;
	(pc) =	sbr.rel @p0 .LBB2_6-.Ltmp2, $4  }
0x95: {  	v0 =	vld.idx.msk [tilespmem:v1+s3+$0x0], $0xffff  }
0x96: {  	s30 =	sadd.s32 $0x80, s30;
	v1 =	vld.idx.msk [tilespmem:v2+s3+$0x0], $0xffff  }
0x97: {  	v2 =	vld.idx.msk [tilespmem:v4+s3+$0x0], $0xffff;
	[tilespmem:s30+$0x30] =	vst v6  }
0x98: {  	s0 =	sadd.s32 $0x80, s0;
	v4 =	vld.idx.msk [tilespmem:v7+s3+$0x0], $0xffff;
	[tilespmem:s30+$0xFFFFFFD0] =	vst v8  }
0x99: {  	[tilespmem:s30+$0xFFFFFFE0] =	vst v5  }
0x9a: {  	[tilespmem:s30+$0xFFFFFFF0] =	vst v3  }
0x9b: {  	[tilespmem:s30+$0x0] =	vst v0  }
0x9c: {  	[tilespmem:s30+$0x10] =	vst v1  }
0x9d: {  	[tilespmem:s30+$0x20] =	vst v2  }
0x9e: {  	[tilespmem:s30+$0xFFFFFFC0] =	vst v4  }
0x9f: {  	[hbm4b:s10+s13] =	stream.strided.scatter [tilespmem:s21], [sflag:$0x6], $0x1000, s14, s13, $0x38;
	[tilespmem:$0x1E700] =	vst v63  }
0xa0: {  	_ =	swait.ge [sflag:s26], $0x1000  }
0xa1: {  	[sflag:s26] =	ssyncset.done $0x0  }
0xa2: {  	[sflag:s26] =	ssyncadd.s32 $0xFFFFF000  }
0xa3: {  	_ =	swait.ge [sflag:s28], $0x1000  }
0xa4: {  	[sflag:s28] =	ssyncset.done $0x0  }
0xa5: {  	s0 =	simm.s32 $0x1B770;
	[sflag:s28] =	ssyncadd.s32 $0xFFFFF000  }
0xa6: {  	v0 =	vld [tilespmem:s0+$0x0]  }
0xa7: {  	v1 =	vld [tilespmem:s0+$0xFFFFFFA0]  }
0xa8: {  	v2 =	vld [tilespmem:s0+$0xFFFFFFB0]  }
0xa9: {  	v3 =	vld [tilespmem:s0+$0xFFFFFFC0]  }
0xaa: {  	v4 =	vld [tilespmem:s0+$0xFFFFFFD0]  }
0xab: {  	v6 =	vld [tilespmem:s0+$0xFFFFFFE0]  }
0xac: {  	v7 =	vld [tilespmem:s0+$0xFFFFFFF0]  }
0xad: {  	v8 =	vld [tilespmem:s0+$0xFFFFFF90]  }
0xae: {  	v9 =	vld.idx.msk [tilespmem:v0+s3+$0x0], $0xffff  }
0xaf: {  	v10 =	vld.idx.msk [tilespmem:v1+s3+$0x0], $0xffff  }
0xb0: {  	v5 =	vld.idx.msk [tilespmem:v2+s3+$0x0], $0xffff  }
0xb1: {  	v3 =	vld.idx.msk [tilespmem:v3+s3+$0x0], $0xffff  }
0xb2: {  	v0 =	vld.idx.msk [tilespmem:v4+s3+$0x0], $0xffff  }
0xb3: {  	s30 =	simm.s32 $0x1D770;
	v1 =	vld.idx.msk [tilespmem:v6+s3+$0x0], $0xffff  }
0xb4: {  	v2 =	vld.idx.msk [tilespmem:v7+s3+$0x0], $0xffff;
	[tilespmem:s30+$0x0] =	vst v9  }
0xb5: {  	s31 =	simm.s32 $0x0;
	s0 =	simm.s32 $0x1B7F0;
	v4 =	vld.idx.msk [tilespmem:v8+s3+$0x0], $0xffff;
	[tilespmem:s30+$0xFFFFFFA0] =	vst v10  }
.LBB2_8:
0xb6: {  	v6 =	vld [tilespmem:s0+$0x0];
	s31 =	sadd.s32 $0x80, s31;
	[tilespmem:s30+$0xFFFFFFB0] =	vst v5  }
0xb7: {  	v5 =	vld [tilespmem:s0+$0xFFFFFFA0];
	p0 =	slt.u32 s31, $0xF80;
	[tilespmem:s30+$0xFFFFFFC0] =	vst v3  }
0xb8: {  	v3 =	vld [tilespmem:s0+$0xFFFFFFB0];
	[tilespmem:s30+$0xFFFFFFD0] =	vst v0  }
0xb9: {  	v0 =	vld [tilespmem:s0+$0xFFFFFFC0];
	[tilespmem:s30+$0xFFFFFFE0] =	vst v1  }
0xba: {  	v1 =	vld [tilespmem:s0+$0xFFFFFFD0];
	[tilespmem:s30+$0xFFFFFFF0] =	vst v2  }
0xbb: {  	v2 =	vld [tilespmem:s0+$0xFFFFFFE0];
	[tilespmem:s30+$0xFFFFFF90] =	vst v4  }
0xbc: {  	v4 =	vld [tilespmem:s0+$0xFFFFFFF0]  }
0xbd: {  	v7 =	vld [tilespmem:s0+$0xFFFFFF90]  }
0xbe: {  	v6 =	vld.idx.msk [tilespmem:v6+s3+$0x0], $0xffff  }
0xbf: {  	v8 =	vld.idx.msk [tilespmem:v5+s3+$0x0], $0xffff  }
0xc0: {  	v5 =	vld.idx.msk [tilespmem:v3+s3+$0x0], $0xffff  }
.Ltmp3:
0xc1: {  	v3 =	vld.idx.msk [tilespmem:v0+s3+$0x0], $0xffff;
	(pc) =	sbr.rel @p0 .LBB2_8-.Ltmp3, $4  }
0xc2: {  	v0 =	vld.idx.msk [tilespmem:v1+s3+$0x0], $0xffff  }
0xc3: {  	s30 =	sadd.s32 $0x80, s30;
	v1 =	vld.idx.msk [tilespmem:v2+s3+$0x0], $0xffff  }
0xc4: {  	v2 =	vld.idx.msk [tilespmem:v4+s3+$0x0], $0xffff;
	[tilespmem:s30+$0x0] =	vst v6  }
0xc5: {  	s0 =	sadd.s32 $0x80, s0;
	v4 =	vld.idx.msk [tilespmem:v7+s3+$0x0], $0xffff;
	[tilespmem:s30+$0xFFFFFFA0] =	vst v8  }
0xc6: {  	[tilespmem:s30+$0xFFFFFFB0] =	vst v5  }
0xc7: {  	[tilespmem:s30+$0xFFFFFFC0] =	vst v3  }
0xc8: {  	[tilespmem:s30+$0xFFFFFFD0] =	vst v0  }
0xc9: {  	[tilespmem:s30+$0xFFFFFFE0] =	vst v1  }
0xca: {  	[tilespmem:s30+$0xFFFFFFF0] =	vst v2  }
0xcb: {  	s29 =	sadd.s32 $0x1, s29;
	[tilespmem:s30+$0xFFFFFF90] =	vst v4  }
0xcc: {  	[hbm4b:s11+s13] =	stream.strided.scatter [tilespmem:s23], [sflag:$0x7], $0x1000, s14, s13, $0x38;
	[tilespmem:$0x1E700] =	vst v63  }
0xcd: {  	p0 =	sne.s32 s29, s12;
	_ =	swait.ge [sflag:s25], $0x1000  }
.Ltmp4:
0xce: {  	[sflag:s25] =	ssyncset.done $0x0;
	(pc) =	sbr.rel @p0 .LBB2_1-.Ltmp4, $4  }
0xcf: {  	[sflag:s25] =	ssyncadd.s32 $0xFFFFF000  }
0xd0: {  	_ =	swait.ge [sflag:s28], $0x1000  }
0xd1: {  	[sflag:s28] =	ssyncset.done $0x0  }
0xd2: {  	[sflag:s28] =	ssyncadd.s32 $0xFFFFF000  }
0xd3: {  	_ =	sfence.sel $0x180000  }
0xd4: {  	[bflag:$0x0] =	sbarrier.arrive $0xFFFF  }
0xd5: {  	_ =	strace $0x90000047  }
0xd6: {  	[bflag:$0x2] =	sbarrier.arrive $0xFFFF  }
0xd7: {  	p0 =	sne.s32 s2, $0x0;
	s0 =	rddreg [dreg:$0x3]  }
0xd8: {  	s0 =	sadd.s32 @!p0 $0x100000, s0  }
0xd9: {  	[sflag:s0] =	ssyncadd.tile.s32 @!p0 $0x1;
	_ =	shalt  }
.Lfunc_end2:
_tile_overlayer_lowered:
.L_overlay_start_2:
0xda: {  	(tag) =	ssettag $0x2  }
0xdb: {  	s0 =	rddreg [dreg:$0x0];
	s2 =	stileid.u32  }
0xdc: {  	s1 =	rddreg [dreg:$0x1];
	p0 =	sne.s32 s2, $0x0  }
0xdd: {  	s3 =	rddreg [dreg:$0x2];
	[bflag:$0x3] =	sbarrier.arrive $0xFFFF;
	s2 =	simm.s32 @!p0 $0x1C08  }
0xde: {  	[timem:s3], [sflag:s2] =	dma.local @!p0 [hbm:s0], s1  }
0xdf: {  	s0 =	simm.s32 @!p0 $0x8  }
0xe0: {  	_ =	swait.ge @!p0 [sflag:s0], s1  }
0xe1: {  	s1 =	ssub.s32 @!p0 $0x0, s1;
	[sflag:s0] =	ssyncset.done @!p0 $0x0  }
0xe2: {  	[sflag:s0] =	ssyncadd.s32 @!p0 s1  }
0xe3: {  	[bflag:$0x3] =	sbarrier.arrive $0xFFFF  }
0xe4: {  	_ =	shalt  }

</sc_bundles>
